<compile_context>
chip_gen: v7x
topology: tpu7x:2x2x1
jax: 0.10.2.dev20260603
libtpu: 0.0.44.dev20260713+nightly
codegen_flags: <defaults>
</compile_context>

<pallas_src>
import functools

import jax
import jax.numpy as jnp
from jax import lax
from jax.experimental import pallas as pl
from jax.experimental.pallas import tpu as pltpu
from jax.experimental.pallas import tpu_sc as plsc

B, K, N = 1024, 1024, 256

_NC, _NS = 2, 16
_NW = _NC * _NS

_BB = 512


def _argmax_body(hd_ref, c_ref, idx_ref):
    x = (2.0 * K) * hd_ref[:, 0, :] - float(K)
    t = lax.dot_general(
        x, c_ref[...],
        dimension_numbers=(((1,), (1,)), ((), ())),
        preferred_element_type=jnp.float32,
    )
    rev_k = lax.broadcasted_iota(jnp.int32, (1, K), 1).astype(jnp.float32)
    s = t + (float(K - 1) - rev_k)
    m = jnp.max(s, axis=1)
    r = m - float(K) * jnp.floor(m * (1.0 / K))
    idx_ref[...] = (K - 1) - r.astype(jnp.int32)


def _tc_argmax(hd3, C):
    return pl.pallas_call(
        _argmax_body,
        grid=(B // _BB,),
        in_specs=[
            pl.BlockSpec((_BB, 1, N), lambda i: (i, 0, 0)),
            pl.BlockSpec((K, N), lambda i: (0, 0)),
        ],
        out_specs=pl.BlockSpec((_BB,), lambda i: (i,)),
        out_shape=jax.ShapeDtypeStruct((B,), jnp.int32),
    )(hd3, C)


@functools.lru_cache(maxsize=4)
def _make_sc_gather(rows):
    bpw = rows // _NW
    nch = 2
    ch = bpw // nch

    @functools.partial(
        pl.kernel,
        out_type=jax.ShapeDtypeStruct((rows, N), jnp.float32),
        mesh=plsc.VectorSubcoreMesh(core_axis_name="c", subcore_axis_name="s"),
        scratch_types=[
            pltpu.VMEM((bpw,), jnp.int32),
            pltpu.VMEM((nch, bpw // nch, N), jnp.float32),
            pltpu.SemaphoreType.DMA,
            pltpu.SemaphoreType.DMA,
        ],
    )
    def _sc_gather(table_hbm, idx_hbm, out_hbm, idx_v, rows_v, gsem, wsem):
        wid = lax.axis_index("s") * _NC + lax.axis_index("c")
        base = wid * bpw
        pltpu.sync_copy(idx_hbm.at[pl.ds(base, bpw)], idx_v)
        gathers = [
            pltpu.async_copy(
                table_hbm.at[idx_v.at[pl.ds(j * ch, ch)]], rows_v.at[j], gsem)
            for j in range(nch)
        ]
        writes = []
        for j in range(nch):
            gathers[j].wait()
            writes.append(pltpu.async_copy(
                rows_v.at[j], out_hbm.at[pl.ds(base + j * ch, ch)], wsem))
        for w in writes:
            w.wait()

    return _sc_gather


def kernel(harddecision, C):
    idx = _tc_argmax(harddecision, C)
    out = _make_sc_gather(B)(C, idx)
    return out[:, None, :]

# --- scband reference (transcript-rebuilt; emitter-appended) ---
"""Pipeline reference for scband-hard-decision-ml-16226386444797 (READ-ONLY COPY).

The authoritative reference and input builder live on the scoring server;
editing this copy changes nothing except your own understanding.
"""

import jax, jax.numpy as jnp
import numpy as np


def setup_inputs(seed: int = 0) -> dict:
    key = jax.random.key(seed)
    k1, k2 = jax.random.split(key)
    # forward input: hard decisions in {0,1}, shape [B, 1, n]
    harddecision = jax.random.randint(k1, (1024, 1, 256), 0, 2).astype(jnp.float32)
    # learned/fixed parameter from __init__: binary codebook C, shape [K, n]
    C = jax.random.randint(k2, (1024, 256), 0, 2).astype(jnp.float32)
    return {"harddecision": harddecision, "C": C}


def reference(harddecision, C):
    # distances[b, k] = number of matching positions between harddecision[b] and codeword k
    # (equivalent to n - hamming_distance)
    distances = jnp.sum((harddecision == C).astype(jnp.int32), axis=2)  # [B, K]
    most_like = jnp.argmax(distances, axis=1)  # [B]
    harddecision_output = C[most_like][:, None, :]  # [B, 1, n]
    return harddecision_output

if __name__ == "__main__":
    import jax
    _d = setup_inputs()
    print(jax.jit(kernel)(*tuple(_d.values())))

</pallas_src>

<mosaic_0001>
#map = affine_map<(d0, d1) -> (0, 0)>
#map1 = affine_map<(d0, d1) -> (0)>
module attributes {stable_mosaic.version = 14 : i64} {
  func.func @_sc_gather(%arg0: i32, %arg1: i32, %arg2: memref<1024x256xf32, #tpu.memory_space<hbm>>, %arg3: memref<1024xi32, #tpu.memory_space<hbm>>, %arg4: memref<1024x256xf32, #tpu.memory_space<hbm>>, %arg5: memref<32xi32, #tpu.memory_space<vmem>>, %arg6: memref<2x16x256xf32, #tpu.memory_space<vmem>>, %arg7: memref<!tpu.dma_semaphore, #tpu.memory_space<semaphore_mem>>, %arg8: memref<!tpu.dma_semaphore, #tpu.memory_space<semaphore_mem>>) attributes {dimension_semantics = [#tpu.dimension_semantics<core_parallel>, #tpu.dimension_semantics<subcore_parallel>], iteration_bounds = array<i64: 2, 16>, scalar_prefetch = 0 : i64, scratch_operands = 4 : i64, tpu.core_type = #tpu.core_type<sc_vector_subcore>, window_params = [{transform_indices = #map}, {transform_indices = #map1}, {transform_indices = #map}]} {
    %mul3A = arith.constant 2 : i32
    %mul3A_0 = arith.muli %arg1, %mul3A : i32
    %add3A = arith.addi %mul3A_0, %arg0 : i32
    %mul3A_1 = arith.constant 32 : i32
    %mul3A_2 = arith.muli %add3A, %mul3A_1 : i32
    "tpu.region"() ({
      %run_scoped3A = tpu.sem_alloc : memref<!tpu.dma_semaphore, #tpu.memory_space<semaphore_mem>>
      %dma_start3A_97 = tpu.memref_slice %arg3[%mul3A_2] : memref<1024xi32, #tpu.memory_space<hbm>> -> memref<32xi32, #tpu.memory_space<hbm>>
      %dma_start3A_98 = tpu.memref_slice %arg3[%mul3A_2] : memref<1024xi32, #tpu.memory_space<hbm>> -> memref<32xi32, #tpu.memory_space<hbm>>
      tpu.enqueue_dma source(%dma_start3A_98 : memref<32xi32, #tpu.memory_space<hbm>>) target(%arg5 : memref<32xi32, #tpu.memory_space<vmem>>) target_semaphore(%run_scoped3A : memref<!tpu.dma_semaphore, #tpu.memory_space<semaphore_mem>>)
      %dma_wait3A_99 = tpu.memref_slice %arg3[%mul3A_2] : memref<1024xi32, #tpu.memory_space<hbm>> -> memref<32xi32, #tpu.memory_space<hbm>>
      %dma_wait3A_100 = tpu.memref_slice %arg3[%mul3A_2] : memref<1024xi32, #tpu.memory_space<hbm>> -> memref<32xi32, #tpu.memory_space<hbm>>
      tpu.wait_dma2 semaphore(%run_scoped3A : memref<!tpu.dma_semaphore, #tpu.memory_space<semaphore_mem>>) src(%dma_wait3A_100 : memref<32xi32, #tpu.memory_space<hbm>>) dst(%arg5 : memref<32xi32, #tpu.memory_space<vmem>>)
      tpu.yield
    }) : () -> ()
    %dma_start3A = arith.constant 0 : i32
    %dma_start3A_3 = arith.constant 0 : i32
    %dma_start3A_4 = arith.constant 0 : i32
    %dma_start3A_5 = tpu.memref_slice %arg6[%dma_start3A, %dma_start3A_3, %dma_start3A_4] : memref<2x16x256xf32, #tpu.memory_space<vmem>> -> memref<1x16x256xf32, #tpu.memory_space<vmem>>
    %dma_start3A_6 = tpu.memref_squeeze %dma_start3A_5 : memref<1x16x256xf32, #tpu.memory_space<vmem>> -> memref<16x256xf32, #tpu.memory_space<vmem>>
    %dma_start3A_7 = arith.constant 0 : i32
    %dma_start3A_8 = tpu.memref_slice %arg5[%dma_start3A_7] : memref<32xi32, #tpu.memory_space<vmem>> -> memref<16xi32, #tpu.memory_space<vmem>>
    %dma_start3A_9 = arith.constant 0 : i32
    %dma_start3A_10 = arith.constant 0 : i32
    %dma_start3A_11 = tpu.memref_slice %arg2[%dma_start3A_9, %dma_start3A_10] : memref<1024x256xf32, #tpu.memory_space<hbm>> -> memref<1024x256xf32, #tpu.memory_space<hbm>>
    tpu.enqueue_indirect_dma source(%dma_start3A_11 : memref<1024x256xf32, #tpu.memory_space<hbm>>) target(%dma_start3A_6 : memref<16x256xf32, #tpu.memory_space<vmem>>) offsets(%dma_start3A_8 : memref<16xi32, #tpu.memory_space<vmem>>) semaphore(%arg7 : memref<!tpu.dma_semaphore, #tpu.memory_space<semaphore_mem>>)
    %dma_start3A_12 = arith.constant 1 : i32
    %dma_start3A_13 = arith.constant 0 : i32
    %dma_start3A_14 = arith.constant 0 : i32
    %dma_start3A_15 = tpu.memref_slice %arg6[%dma_start3A_12, %dma_start3A_13, %dma_start3A_14] : memref<2x16x256xf32, #tpu.memory_space<vmem>> -> memref<1x16x256xf32, #tpu.memory_space<vmem>>
    %dma_start3A_16 = tpu.memref_squeeze %dma_start3A_15 : memref<1x16x256xf32, #tpu.memory_space<vmem>> -> memref<16x256xf32, #tpu.memory_space<vmem>>
    %dma_start3A_17 = arith.constant 16 : i32
    %dma_start3A_18 = tpu.memref_slice %arg5[%dma_start3A_17] : memref<32xi32, #tpu.memory_space<vmem>> -> memref<16xi32, #tpu.memory_space<vmem>>
    %dma_start3A_19 = arith.constant 0 : i32
    %dma_start3A_20 = arith.constant 0 : i32
    %dma_start3A_21 = tpu.memref_slice %arg2[%dma_start3A_19, %dma_start3A_20] : memref<1024x256xf32, #tpu.memory_space<hbm>> -> memref<1024x256xf32, #tpu.memory_space<hbm>>
    tpu.enqueue_indirect_dma source(%dma_start3A_21 : memref<1024x256xf32, #tpu.memory_space<hbm>>) target(%dma_start3A_16 : memref<16x256xf32, #tpu.memory_space<vmem>>) offsets(%dma_start3A_18 : memref<16xi32, #tpu.memory_space<vmem>>) semaphore(%arg7 : memref<!tpu.dma_semaphore, #tpu.memory_space<semaphore_mem>>)
    %dma_wait3A = arith.constant 0 : i32
    %dma_wait3A_22 = arith.constant 0 : i32
    %dma_wait3A_23 = arith.constant 0 : i32
    %dma_wait3A_24 = tpu.memref_slice %arg6[%dma_wait3A, %dma_wait3A_22, %dma_wait3A_23] : memref<2x16x256xf32, #tpu.memory_space<vmem>> -> memref<1x16x256xf32, #tpu.memory_space<vmem>>
    %dma_wait3A_25 = tpu.memref_squeeze %dma_wait3A_24 : memref<1x16x256xf32, #tpu.memory_space<vmem>> -> memref<16x256xf32, #tpu.memory_space<vmem>>
    %dma_wait3A_26 = arith.constant 0 : i32
    %dma_wait3A_27 = tpu.memref_slice %arg5[%dma_wait3A_26] : memref<32xi32, #tpu.memory_space<vmem>> -> memref<16xi32, #tpu.memory_space<vmem>>
    %dma_wait3A_28 = arith.constant 0 : i32
    %dma_wait3A_29 = arith.constant 0 : i32
    %dma_wait3A_30 = tpu.memref_slice %arg2[%dma_wait3A_28, %dma_wait3A_29] : memref<1024x256xf32, #tpu.memory_space<hbm>> -> memref<1024x256xf32, #tpu.memory_space<hbm>>
    tpu.wait_indirect_dma semaphore(%arg7 : memref<!tpu.dma_semaphore, #tpu.memory_space<semaphore_mem>>) src(%dma_wait3A_30 : memref<1024x256xf32, #tpu.memory_space<hbm>>) dst(%dma_wait3A_25 : memref<16x256xf32, #tpu.memory_space<vmem>>)
    %add3A_31 = arith.constant 0 : i32
    %add3A_32 = arith.addi %mul3A_2, %add3A_31 : i32
    %dma_start3A_33 = arith.constant 0 : i32
    %dma_start3A_34 = arith.constant 0 : i32
    %dma_start3A_35 = arith.constant 0 : i32
    %dma_start3A_36 = tpu.memref_slice %arg6[%dma_start3A_33, %dma_start3A_34, %dma_start3A_35] : memref<2x16x256xf32, #tpu.memory_space<vmem>> -> memref<1x16x256xf32, #tpu.memory_space<vmem>>
    %dma_start3A_37 = tpu.memref_squeeze %dma_start3A_36 : memref<1x16x256xf32, #tpu.memory_space<vmem>> -> memref<16x256xf32, #tpu.memory_space<vmem>>
    %dma_start3A_38 = arith.constant 0 : i32
    %dma_start3A_39 = tpu.memref_slice %arg4[%add3A_32, %dma_start3A_38] : memref<1024x256xf32, #tpu.memory_space<hbm>> -> memref<16x256xf32, #tpu.memory_space<hbm>>
    %dma_start3A_40 = arith.constant 0 : i32
    %dma_start3A_41 = tpu.memref_slice %arg4[%add3A_32, %dma_start3A_40] : memref<1024x256xf32, #tpu.memory_space<hbm>> -> memref<16x256xf32, #tpu.memory_space<hbm>>
    %dma_start3A_42 = arith.constant 0 : i32
    %dma_start3A_43 = arith.constant 0 : i32
    %dma_start3A_44 = tpu.memref_slice %arg6[%dma_start3A_33, %dma_start3A_42, %dma_start3A_43] : memref<2x16x256xf32, #tpu.memory_space<vmem>> -> memref<1x16x256xf32, #tpu.memory_space<vmem>>
    %dma_start3A_45 = tpu.memref_squeeze %dma_start3A_44 : memref<1x16x256xf32, #tpu.memory_space<vmem>> -> memref<16x256xf32, #tpu.memory_space<vmem>>
    tpu.enqueue_dma source(%dma_start3A_45 : memref<16x256xf32, #tpu.memory_space<vmem>>) target(%dma_start3A_41 : memref<16x256xf32, #tpu.memory_space<hbm>>) target_semaphore(%arg8 : memref<!tpu.dma_semaphore, #tpu.memory_space<semaphore_mem>>)
    %dma_wait3A_46 = arith.constant 1 : i32
    %dma_wait3A_47 = arith.constant 0 : i32
    %dma_wait3A_48 = arith.constant 0 : i32
    %dma_wait3A_49 = tpu.memref_slice %arg6[%dma_wait3A_46, %dma_wait3A_47, %dma_wait3A_48] : memref<2x16x256xf32, #tpu.memory_space<vmem>> -> memref<1x16x256xf32, #tpu.memory_space<vmem>>
    %dma_wait3A_50 = tpu.memref_squeeze %dma_wait3A_49 : memref<1x16x256xf32, #tpu.memory_space<vmem>> -> memref<16x256xf32, #tpu.memory_space<vmem>>
    %dma_wait3A_51 = arith.constant 16 : i32
    %dma_wait3A_52 = tpu.memref_slice %arg5[%dma_wait3A_51] : memref<32xi32, #tpu.memory_space<vmem>> -> memref<16xi32, #tpu.memory_space<vmem>>
    %dma_wait3A_53 = arith.constant 0 : i32
    %dma_wait3A_54 = arith.constant 0 : i32
    %dma_wait3A_55 = tpu.memref_slice %arg2[%dma_wait3A_53, %dma_wait3A_54] : memref<1024x256xf32, #tpu.memory_space<hbm>> -> memref<1024x256xf32, #tpu.memory_space<hbm>>
    tpu.wait_indirect_dma semaphore(%arg7 : memref<!tpu.dma_semaphore, #tpu.memory_space<semaphore_mem>>) src(%dma_wait3A_55 : memref<1024x256xf32, #tpu.memory_space<hbm>>) dst(%dma_wait3A_50 : memref<16x256xf32, #tpu.memory_space<vmem>>)
    %add3A_56 = arith.constant 16 : i32
    %add3A_57 = arith.addi %mul3A_2, %add3A_56 : i32
    %dma_start3A_58 = arith.constant 1 : i32
    %dma_start3A_59 = arith.constant 0 : i32
    %dma_start3A_60 = arith.constant 0 : i32
    %dma_start3A_61 = tpu.memref_slice %arg6[%dma_start3A_58, %dma_start3A_59, %dma_start3A_60] : memref<2x16x256xf32, #tpu.memory_space<vmem>> -> memref<1x16x256xf32, #tpu.memory_space<vmem>>
    %dma_start3A_62 = tpu.memref_squeeze %dma_start3A_61 : memref<1x16x256xf32, #tpu.memory_space<vmem>> -> memref<16x256xf32, #tpu.memory_space<vmem>>
    %dma_start3A_63 = arith.constant 0 : i32
    %dma_start3A_64 = tpu.memref_slice %arg4[%add3A_57, %dma_start3A_63] : memref<1024x256xf32, #tpu.memory_space<hbm>> -> memref<16x256xf32, #tpu.memory_space<hbm>>
    %dma_start3A_65 = arith.constant 0 : i32
    %dma_start3A_66 = tpu.memref_slice %arg4[%add3A_57, %dma_start3A_65] : memref<1024x256xf32, #tpu.memory_space<hbm>> -> memref<16x256xf32, #tpu.memory_space<hbm>>
    %dma_start3A_67 = arith.constant 0 : i32
    %dma_start3A_68 = arith.constant 0 : i32
    %dma_start3A_69 = tpu.memref_slice %arg6[%dma_start3A_58, %dma_start3A_67, %dma_start3A_68] : memref<2x16x256xf32, #tpu.memory_space<vmem>> -> memref<1x16x256xf32, #tpu.memory_space<vmem>>
    %dma_start3A_70 = tpu.memref_squeeze %dma_start3A_69 : memref<1x16x256xf32, #tpu.memory_space<vmem>> -> memref<16x256xf32, #tpu.memory_space<vmem>>
    tpu.enqueue_dma source(%dma_start3A_70 : memref<16x256xf32, #tpu.memory_space<vmem>>) target(%dma_start3A_66 : memref<16x256xf32, #tpu.memory_space<hbm>>) target_semaphore(%arg8 : memref<!tpu.dma_semaphore, #tpu.memory_space<semaphore_mem>>)
    %dma_wait3A_71 = arith.constant 0 : i32
    %dma_wait3A_72 = arith.constant 0 : i32
    %dma_wait3A_73 = arith.constant 0 : i32
    %dma_wait3A_74 = tpu.memref_slice %arg6[%dma_wait3A_71, %dma_wait3A_72, %dma_wait3A_73] : memref<2x16x256xf32, #tpu.memory_space<vmem>> -> memref<1x16x256xf32, #tpu.memory_space<vmem>>
    %dma_wait3A_75 = tpu.memref_squeeze %dma_wait3A_74 : memref<1x16x256xf32, #tpu.memory_space<vmem>> -> memref<16x256xf32, #tpu.memory_space<vmem>>
    %dma_wait3A_76 = arith.constant 0 : i32
    %dma_wait3A_77 = tpu.memref_slice %arg4[%add3A_32, %dma_wait3A_76] : memref<1024x256xf32, #tpu.memory_space<hbm>> -> memref<16x256xf32, #tpu.memory_space<hbm>>
    %dma_wait3A_78 = arith.constant 0 : i32
    %dma_wait3A_79 = tpu.memref_slice %arg4[%add3A_32, %dma_wait3A_78] : memref<1024x256xf32, #tpu.memory_space<hbm>> -> memref<16x256xf32, #tpu.memory_space<hbm>>
    %dma_wait3A_80 = arith.constant 0 : i32
    %dma_wait3A_81 = arith.constant 0 : i32
    %dma_wait3A_82 = tpu.memref_slice %arg6[%dma_wait3A_71, %dma_wait3A_80, %dma_wait3A_81] : memref<2x16x256xf32, #tpu.memory_space<vmem>> -> memref<1x16x256xf32, #tpu.memory_space<vmem>>
    %dma_wait3A_83 = tpu.memref_squeeze %dma_wait3A_82 : memref<1x16x256xf32, #tpu.memory_space<vmem>> -> memref<16x256xf32, #tpu.memory_space<vmem>>
    tpu.wait_dma2 semaphore(%arg8 : memref<!tpu.dma_semaphore, #tpu.memory_space<semaphore_mem>>) src(%dma_wait3A_83 : memref<16x256xf32, #tpu.memory_space<vmem>>) dst(%dma_wait3A_79 : memref<16x256xf32, #tpu.memory_space<hbm>>)
    %dma_wait3A_84 = arith.constant 1 : i32
    %dma_wait3A_85 = arith.constant 0 : i32
    %dma_wait3A_86 = arith.constant 0 : i32
    %dma_wait3A_87 = tpu.memref_slice %arg6[%dma_wait3A_84, %dma_wait3A_85, %dma_wait3A_86] : memref<2x16x256xf32, #tpu.memory_space<vmem>> -> memref<1x16x256xf32, #tpu.memory_space<vmem>>
    %dma_wait3A_88 = tpu.memref_squeeze %dma_wait3A_87 : memref<1x16x256xf32, #tpu.memory_space<vmem>> -> memref<16x256xf32, #tpu.memory_space<vmem>>
    %dma_wait3A_89 = arith.constant 0 : i32
    %dma_wait3A_90 = tpu.memref_slice %arg4[%add3A_57, %dma_wait3A_89] : memref<1024x256xf32, #tpu.memory_space<hbm>> -> memref<16x256xf32, #tpu.memory_space<hbm>>
    %dma_wait3A_91 = arith.constant 0 : i32
    %dma_wait3A_92 = tpu.memref_slice %arg4[%add3A_57, %dma_wait3A_91] : memref<1024x256xf32, #tpu.memory_space<hbm>> -> memref<16x256xf32, #tpu.memory_space<hbm>>
    %dma_wait3A_93 = arith.constant 0 : i32
    %dma_wait3A_94 = arith.constant 0 : i32
    %dma_wait3A_95 = tpu.memref_slice %arg6[%dma_wait3A_84, %dma_wait3A_93, %dma_wait3A_94] : memref<2x16x256xf32, #tpu.memory_space<vmem>> -> memref<1x16x256xf32, #tpu.memory_space<vmem>>
    %dma_wait3A_96 = tpu.memref_squeeze %dma_wait3A_95 : memref<1x16x256xf32, #tpu.memory_space<vmem>> -> memref<16x256xf32, #tpu.memory_space<vmem>>
    tpu.wait_dma2 semaphore(%arg8 : memref<!tpu.dma_semaphore, #tpu.memory_space<semaphore_mem>>) src(%dma_wait3A_96 : memref<16x256xf32, #tpu.memory_space<vmem>>) dst(%dma_wait3A_92 : memref<16x256xf32, #tpu.memory_space<hbm>>)
    return
  }
}

module attributes {stable_mosaic.version = 14 : i64} {
  func.func @_argmax_body(%arg0: i32, %arg1: memref<512x1x256xf32, #tpu.memory_space<vmem>>, %arg2: memref<1024x256xf32, #tpu.memory_space<vmem>>, %arg3: memref<512xi32, #tpu.memory_space<vmem>>) attributes {dimension_semantics = [#tpu.dimension_semantics<arbitrary>], iteration_bounds = array<i64: 2>, scalar_prefetch = 0 : i64, scratch_operands = 0 : i64, tpu.core_type = #tpu.core_type<tc>, window_params = [{transform_indices = @transform_0, window_bounds = array<i64: 512, 1, 256>}, {pipeline_mode = #tpu.pipeline_mode<synchronous>, transform_indices = @transform_1, window_bounds = array<i64: 1024, 256>}, {transform_indices = @transform_2, window_bounds = array<i64: 512>}]} {
    %get3A = arith.constant 0 : index
    %get3A_0 = arith.constant 0 : index
    %get3A_1 = arith.constant 0 : index
    %get3A_2 = vector.load %arg1[%get3A, %get3A_0, %get3A_1] : memref<512x1x256xf32, #tpu.memory_space<vmem>>, vector<512x1x256xf32>
    %get3A_3 = vector.shape_cast %get3A_2 : vector<512x1x256xf32> to vector<512x256xf32>
    %mul3A = arith.constant 2.048000e+03 : f32
    %mul3A_4 = vector.broadcast %mul3A : f32 to vector<512x256xf32>
    %mul3A_5 = arith.mulf %mul3A_4, %get3A_3 : vector<512x256xf32>
    %sub3A = arith.constant 1.024000e+03 : f32
    %sub3A_6 = vector.broadcast %sub3A : f32 to vector<512x256xf32>
    %sub3A_7 = arith.subf %mul3A_5, %sub3A_6 : vector<512x256xf32>
    %get3A_8 = arith.constant 0 : index
    %get3A_9 = arith.constant 0 : index
    %get3A_10 = vector.load %arg2[%get3A_8, %get3A_9] : memref<1024x256xf32, #tpu.memory_space<vmem>>, vector<1024x256xf32>
    %dot_general3A = arith.constant dense<0.000000e+00> : vector<512x1024xf32>
    %dot_general3A_11 = tpu.matmul %sub3A_7, %get3A_10, %dot_general3A {dimension_numbers = #tpu.dot_dimension_numbers<[1], [1], [0], [0], [0, 0, 1, 0], [], []>, transpose_lhs_hint = false} : vector<512x256xf32>, vector<1024x256xf32>, vector<512x1024xf32> -> vector<512x1024xf32>
    %iota3A = tpu.iota {dimensions = array<i32: 1>} : vector<1x1024xi32>
    %convert_element_type3A = arith.sitofp %iota3A : vector<1x1024xi32> to vector<1x1024xf32>
    %sub3A_12 = arith.constant 1.023000e+03 : f32
    %sub3A_13 = vector.broadcast %sub3A_12 : f32 to vector<1x1024xf32>
    %sub3A_14 = arith.subf %sub3A_13, %convert_element_type3A : vector<1x1024xf32>
    %add3A = vector.broadcast %sub3A_14 : vector<1x1024xf32> to vector<512x1024xf32>
    %add3A_15 = arith.addf %dot_general3A_11, %add3A : vector<512x1024xf32>
    %reduce_max3A = arith.constant dense<0xFF800000> : vector<512xf32>
    %reduce_max3A_16 = vector.multi_reduction <maximumf>, %add3A_15, %reduce_max3A [1] : vector<512x1024xf32> to vector<512xf32>
    %mul3A_17 = arith.constant 9.765625E-4 : f32
    %mul3A_18 = vector.broadcast %mul3A_17 : f32 to vector<512xf32>
    %mul3A_19 = arith.mulf %reduce_max3A_16, %mul3A_18 : vector<512xf32>
    %floor3A = math.floor %mul3A_19 : vector<512xf32>
    %mul3A_20 = arith.constant 1.024000e+03 : f32
    %mul3A_21 = vector.broadcast %mul3A_20 : f32 to vector<512xf32>
    %mul3A_22 = arith.mulf %mul3A_21, %floor3A : vector<512xf32>
    %sub3A_23 = arith.subf %reduce_max3A_16, %mul3A_22 : vector<512xf32>
    %convert_element_type3A_24 = arith.fptosi %sub3A_23 : vector<512xf32> to vector<512xi32>
    %sub3A_25 = arith.constant 1023 : i32
    %sub3A_26 = vector.broadcast %sub3A_25 : i32 to vector<512xi32>
    %sub3A_27 = arith.subi %sub3A_26, %convert_element_type3A_24 : vector<512xi32>
    %swap3A = arith.constant 0 : index
    %swap3A_28 = vector.load %arg3[%swap3A] : memref<512xi32, #tpu.memory_space<vmem>>, vector<512xi32>
    tpu.vector_store %arg3[%swap3A], %sub3A_27 {strides = array<i32>} : memref<512xi32, #tpu.memory_space<vmem>>, vector<512xi32>,
    return
  }
  func.func @transform_0(%arg0: i32) -> (i32, i32, i32) {
    %c0_i32 = arith.constant 0 : i32
    %c0_i32_0 = arith.constant 0 : i32
    %c0_i32_1 = arith.constant 0 : i32
    return %arg0, %c0_i32, %c0_i32_0 : i32, i32, i32
  }
  func.func @transform_1(%arg0: i32) -> (i32, i32) {
    %c0_i32 = arith.constant 0 : i32
    %c0_i32_0 = arith.constant 0 : i32
    %c0_i32_1 = arith.constant 0 : i32
    return %c0_i32, %c0_i32_0 : i32, i32
  }
  func.func @transform_2(%arg0: i32) -> i32 {
    %c0_i32 = arith.constant 0 : i32
    return %arg0 : i32
  }
}

</mosaic_0001>

<sc_bundles>
// kernel: kernel.4.cloned.1.call-start
scs
__scs_entry_jumppad:
0x0: {  	(pc) =	sbr.rel $0x88, $3  }
0x1: {  	(tag) =	ssettag $0x0;
	lr =	simm.s32 $0x1  }
0x2: {  	[smem:$0x3F9F] =	sst lr;
	_ =	strace $0xD0000000  }
0x3: {  	_ = 	snop  }
0x4: {  	_ = 	snop  }
0x5: {  	_ = 	snop  }
0x6: {  	_ = 	snop  }
0x7: {  	_ = 	snop  }
__scs_overlays_trampoline_lowered:
0x8: {  	[smem:$0x3FAE] =	sst s0  }
0x9: {  	[smem:$0x3FAF] =	sst s1  }
0xa: {  	[smem:$0x3FB0] =	sst s2  }
0xb: {  	[smem:$0x3FB1] =	sst s3  }
0xc: {  	[smem:$0x3FB2] =	sst s4  }
0xd: {  	[smem:$0x3FB3] =	sst s5  }
0xe: {  	[smem:$0x3FB4] =	sst s6  }
0xf: {  	[smem:$0x3FB5] =	sst s7  }
0x10: {  	[smem:$0x3FB6] =	sst s8  }
0x11: {  	[smem:$0x3FB7] =	sst s9;
	s0 =	simm.s32 @!p0 $0x0  }
0x12: {  	s1 =	sld [smem:$0x3F9D];
	s0 =	simm.s32 @p0 $0x1  }
0x13: {  	[smem:$0x3FB8] =	sst s0;
	s0 =	simm.s32 @!p1 $0x0  }
0x14: {  	s2 =	sld [smem:$0x3F9C];
	s0 =	simm.s32 @p1 $0x1  }
0x15: {  	[smem:$0x3FB9] =	sst s0;
	s0 =	simm.s32 @!p2 $0x0  }
0x16: {  	s3 =	sld [smem:$0x3FDB];
	s0 =	simm.s32 @p2 $0x1  }
0x17: {  	s4 =	simm.s32 $0x1BF5;
	[smem:$0x3FBB] =	sst s0  }
0x18: {  	s0 =	sld [smem:$0x3F9E];
	_ =	swait.ge [sflag:s4], $0x0  }
0x19: {  	s7 =	sld [smem:$0x3F9F]  }
0x1a: {  	s8 =	sadd.s32 $0xFFFFE003, lr  }
0x1b: {  	s9 =	sadd.s32 $0xFFFFFEF7, lr;
	s5 =	simm.s32 $0xFFFFFFFF;
	p2 =	slt.u32 s8, $0xFFFFF086  }
0x1c: {  	p1 =	slt.u32 s9, $0xF7A;
	s5 =	simm.s32 @!p2 $0x0  }
0x1d: {  	s5 =	simm.s32 @p1 $0x1;
	p0 =	seq.s32 s7, s2  }
0x1e: {  	s7 =	smul.u32 @!p0 $0xF7A, s2;
	p2 =	seq.s32 @!p0 s5, $0x0  }
0x1f: {  	s9 =	smul.u32 $0xF7A, s1;
	s8 =	simm.s32 @!p0 $0x1BF5;
	p2 =	por !p2, p0  }
0x20: {  	[sflag:s8] =	ssyncset.s32 @!p0 $0xFFFFF086;
	s6 =	sadd.s32 @!p0 s3, s7;
	s7 =	simm.s32 @!p0 $0x108  }
0x21: {  	s3 =	sadd.s32 s3, s9;
	s6 =	sadd.s32 @!p0 $0x88, s6;
	s7 =	simm.s32 @p2 $0x1082  }
0x22: {  	[simem:s7], [sflag:s8] =	dma.local @!p0 [hbm:s6], $0xF7A  }
0x23: {  	s9 =	sor.u32 $0xD0000000, s2;
	s6 =	simm.s32 $0x108;
	_ =	swait.ge @!p0 [sflag:s8], $0x0  }
0x24: {  	s3 =	sadd.s32 $0x88, s3;
	s6 =	simm.s32 @!p1 $0x1082;
	[sflag:s4] =	ssyncset.s32 $0xFFFFF086  }
0x25: {  	[simem:s6], [sflag:s4] =	dma.local [hbm:s3], $0xF7A  }
0x26: {  	[smem:$0x3F9F] =	sst s1;
	(tag) =	ssettag s2;
	_ =	strace s9  }
0x27: {  	s1 =	sld [smem:$0x3FAF]  }
0x28: {  	s2 =	sld [smem:$0x3FB0]  }
0x29: {  	s4 =	sld [smem:$0x3FB2]  }
0x2a: {  	p0 =	seq.s32 s5, $0x0;
	s5 =	sld [smem:$0x3FB3]  }
0x2b: {  	s6 =	sld [smem:$0x3FB4]  }
0x2c: {  	s7 =	sld [smem:$0x3FB5]  }
0x2d: {  	s3 =	simm.s32 $0x108;
	s8 =	sld [smem:$0x3FB6]  }
0x2e: {  	s3 =	simm.s32 @!p0 $0x1082;
	s9 =	sld [smem:$0x3FB7]  }
0x2f: {  	lr =	sadd.s32 s0, s3;
	s0 =	sld [smem:$0x3FAE]  }
0x30: {  	s3 =	sld [smem:$0x3FB1]  }
0x31: {  	[smem:$0x3FBA] =	sst s10  }
0x32: {  	s10 =	sld [smem:$0x3FB8];
	_ =	sdelay $0x3  }
0x33: {  	p0 =	seq.s32 s10, $0x1;
	s10 =	sld [smem:$0x3FBA];
	_ =	sdelay $0x3  }
0x34: {  	[smem:$0x3FBA] =	sst s10  }
0x35: {  	s10 =	sld [smem:$0x3FB9];
	_ =	sdelay $0x3  }
0x36: {  	p1 =	seq.s32 s10, $0x1;
	s10 =	sld [smem:$0x3FBA];
	_ =	sdelay $0x3  }
0x37: {  	[smem:$0x3FBA] =	sst s10  }
0x38: {  	s10 =	sld [smem:$0x3FBB]  }
0x39: {  	_ = 	snop;
	(pc) =	sbr.ind lr, $3  }
0x3a: {  	_ = 	snop  }
0x3b: {  	_ = 	snop  }
0x3c: {  	p2 =	seq.s32 s10, $0x1;
	s10 =	sld [smem:$0x3FBA]  }
0x3d: {  	_ =	shalt  }
0x3e: {  	_ =	shalt  }
0x3f: {  	_ =	shalt  }
0x40: {  	_ =	shalt  }
0x41: {  	_ =	shalt  }
0x42: {  	_ =	shalt  }
0x43: {  	_ =	shalt  }
0x44: {  	_ =	shalt  }
0x45: {  	_ =	shalt  }
0x46: {  	_ =	shalt  }
0x47: {  	_ =	shalt  }
0x48: {  	_ =	shalt  }
0x49: {  	_ =	shalt  }
0x4a: {  	_ =	shalt  }
0x4b: {  	_ =	shalt  }
0x4c: {  	_ =	shalt  }
0x4d: {  	_ =	shalt  }
0x4e: {  	_ =	shalt  }
0x4f: {  	_ =	shalt  }
0x50: {  	_ =	shalt  }
0x51: {  	_ =	shalt  }
0x52: {  	_ =	shalt  }
0x53: {  	_ =	shalt  }
0x54: {  	_ =	shalt  }
0x55: {  	_ =	shalt  }
0x56: {  	_ =	shalt  }
0x57: {  	_ =	shalt  }
0x58: {  	_ =	shalt  }
0x59: {  	_ =	shalt  }
0x5a: {  	_ =	shalt  }
0x5b: {  	_ =	shalt  }
0x5c: {  	_ =	shalt  }
0x5d: {  	_ =	shalt  }
0x5e: {  	_ =	shalt  }
0x5f: {  	_ =	shalt  }
0x60: {  	_ =	shalt  }
0x61: {  	_ =	shalt  }
0x62: {  	_ =	shalt  }
0x63: {  	_ =	shalt  }
0x64: {  	_ =	shalt  }
0x65: {  	_ =	shalt  }
0x66: {  	_ =	shalt  }
0x67: {  	_ =	shalt  }
0x68: {  	_ =	shalt  }
0x69: {  	_ =	shalt  }
0x6a: {  	_ =	shalt  }
0x6b: {  	_ =	shalt  }
0x6c: {  	_ =	shalt  }
0x6d: {  	_ =	shalt  }
0x6e: {  	_ =	shalt  }
0x6f: {  	_ =	shalt  }
0x70: {  	_ =	shalt  }
0x71: {  	_ =	shalt  }
0x72: {  	_ =	shalt  }
0x73: {  	_ =	shalt  }
0x74: {  	_ =	shalt  }
0x75: {  	_ =	shalt  }
0x76: {  	_ =	shalt  }
0x77: {  	_ =	shalt  }
0x78: {  	_ =	shalt  }
0x79: {  	_ =	shalt  }
0x7a: {  	_ =	shalt  }
0x7b: {  	_ =	shalt  }
0x7c: {  	_ =	shalt  }
0x7d: {  	_ =	shalt  }
0x7e: {  	_ =	shalt  }
0x7f: {  	_ =	shalt  }
0x80: {  	_ =	shalt  }
0x81: {  	_ =	shalt  }
0x82: {  	_ =	shalt  }
0x83: {  	_ =	shalt  }
0x84: {  	_ =	shalt  }
0x85: {  	_ =	shalt  }
0x86: {  	_ =	shalt  }
0x87: {  	_ =	shalt  }
.Lfunc_end0:
.L_simem_size_0:
called_computation_lowered:
.L_overlay_start_0:
0x88: {  	s2 =	sld [smem:$0x3FD9]  }
0x89: {  	s3 =	sld [smem:$0x3FFE];
	_ =	sdelay $0x1  }
0x8a: {  	s1 =	srdreg.scid  }
0x8b: {  	s0 =	sand.u32 $0x1, s1  }
0x8c: {  	s17 =	sshll.u32 s0, $0xA;
	s2 =	sadd.s32 s3, s2  }
0x8d: {  	s2 =	sadd.s32 s2, s17  }
0x8e: {  	[smem:$0x3FC6] =	sst s2  }
0x8f: {  	_ = 	snop  }
0x90: {  	s2 =	sld [smem:$0x3FC8]  }
0x91: {  	s18 =	sld [smem:$0x3FD0];
	(tm) =	ssettm $0x1  }
0x92: {  	s4 =	sld [smem:$0x3FFB];
	_ =	sdelay $0x3  }
0x93: {  	_ =	strace s4  }
0x94: {  	s4 =	sld [smem:$0x3FFC];
	_ =	sdelay $0x3  }
0x95: {  	_ =	strace s4  }
0x96: {  	s4 =	sld [smem:$0x3FFD];
	_ =	sdelay $0x3  }
0x97: {  	_ =	strace s4  }
0x98: {  	_ =	strace $0x8FFFFFFF  }
0x99: {  	s19 =	sld [smem:$0x3FDB];
	_ =	sdelay $0x1  }
0x9a: {  	s5 =	simm.s32 $_scs_section_size  }
0x9b: {  	s6 =	simm.s32 $_size__tile_overlayer_lowered;
	s7 =	simm.s32 $_tile_overlayer_lowered  }
0x9c: {  	s22 =	simm.s32 $0x1BFF;
	s21 =	sshll.u32 s7, $0x1;
	s4 =	sadd.s32 s5, s19  }
0x9d: {  	s8 =	simm.s32 $0x0;
	s20 =	sshll.u32 s6, $0x1;
	s6 =	sadd.s32 s21, s4  }
0x9e: {  	[timem:s8], [sflag:s22] =	dma.local [hbm:s6], s20  }
0x9f: {  	_ =	swait.ge [sflag:s22], s20  }
0xa0: {  	s5 =	ssub.s32 $0x0, s20;
	[sflag:s22] =	ssyncset.done $0x0  }
0xa1: {  	[sflag:s22] =	ssyncadd.s32 s5;
	_ =	sdelay $0x1  }
0xa2: {  	s23 =	simm.s32 $0x1B8B  }
0xa3: {  	_ =	swait.ge [sflag:s23], $0x1  }
0xa4: {  	[sflag:s23] =	ssyncset.done $0x0  }
0xa5: {  	s25 =	simm.s32 $0x1B8E;
	s24 =	sld [smem:$0x3FFE];
	[sflag:s23] =	ssyncadd.s32 $0xFFFFFFFF  }
0xa6: {  	s26 =	simm.s32 $execute0_lowered;
	[smem:$0x3FD2] =	sst s25  }
0xa7: {  	s6 =	sshll.u32 s26, $0x1;
	_ =	strace $0x80000046;
	[dreg:$0x1] =	wrdreg $0xFFFFFFFF  }
0xa8: {  	s28 =	simm.s32 $_size_execute0_lowered;
	s4 =	sadd.s32 s4, s6;
	[dreg:$0x0] =	wrdreg $0x0  }
0xa9: {  	s6 =	sshll.u32 s28, $0x1;
	[dreg:$0x2] =	wrdreg s4  }
0xaa: {  	[dreg:$0x3] =	wrdreg s6  }
0xab: {  	[dreg:$0x4] =	wrdreg $0xC0  }
0xac: {  	_ =	task [dreg:s8], $0x5FFFF  }
0xad: {  	[dreg:$0x1] =	wrdreg $0xFFFFFFFF  }
0xae: {  	[dreg:$0x0] =	wrdreg $0x60  }
0xaf: {  	[dreg:$0x2] =	wrdreg s2  }
0xb0: {  	[dreg:$0x3] =	wrdreg s18  }
0xb1: {  	[dreg:$0x4] =	wrdreg s24  }
0xb2: {  	[dreg:$0x5] =	wrdreg $0x9  }
0xb3: {  	_ =	task.clear_ibuf [dreg:s8], $0x6FFFF;
	_ =	strace $0x90000046  }
0xb4: {  	s29 =	simm.s32 $0x9;
	_ =	strace $0x80000048  }
0xb5: {  	_ =	swait.ge [sflag:s29], $0x1  }
0xb6: {  	[sflag:s29] =	ssyncadd.s32 $0xFFFFFFFF  }
0xb7: {  	_ =	strace $0x90000048  }
0xb8: {  	_ =	sfence  }
0xb9: {  	s30 =	sld [smem:$0x0];
	_ =	sdelay $0x2  }
0xba: {  	s31 =	sshll.u32 s1, $0xD;
	s1 =	sshrl.u32 s1, $0x2  }
0xbb: {  	s3 =	sand.u32 $0x4000, s31;
	s1 =	sadd.s32 s1, s30  }
0xbc: {  	s0 =	sor.u32 s3, s0;
	s1 =	sshll.u32 s1, $0x11  }
0xbd: {  	s0 =	sor.u32 s1, s0  }
0xbe: {  	s0 =	sadd.s32 $0x8F2B, s0  }
0xbf: {  	[sflag:s0] =	ssyncadd.remote.s32 $0x1  }
0xc0: {  	_ =	sfence.sel $0xFFFF  }
0xc1: {  	[dreg:$0x0] =	wrdreg $0xFFFFFFFF;
	(pc) =	sbr.abs _section_cstart, $3  }
0xc2: {  	[dreg:$0x1] =	wrdreg $0xFFFFFFFF  }
0xc3: {  	_ =	task.clear_ibuf [dreg:s8], $0x2FFFF;
	_ =	strace $0x9FFFFFFF  }
0xc4: {  	(tm) =	ssettm $0x7FFFFFFF  }
0xc5: {  	_ =	shalt  }
tec
execute0_lowered:
.L_overlay_start_1:
0x0: {  	(tag) =	ssettag $0x1  }
0x1: {  	s1 =	rddreg [dreg:$0x0]  }
0x2: {  	s4 =	rddreg [dreg:$0x1]  }
0x3: {  	s5 =	rddreg [dreg:$0x2];
	s3 =	srdreg.scid  }
0x4: {  	s0 =	rddreg [dreg:$0x3];
	s2 =	stileid.u32  }
0x5: {  	s10 =	simm.s32 $0x880;
	s11 =	simm.s32 $0x1080;
	s12 =	simm.s32 $0x1880  }
0x6: {  	s13 =	simm.s32 $0x1;
	s14 =	simm.s32 $0x2;
	s6 =	sand.u32 $0x1, s3  }
0x7: {  	s3 =	simm.s32 $0x0;
	s7 =	sshll.u32 s2, $0x6;
	s8 =	sshll.u32 s6, $0x5  }
0x8: {  	[smem:$0x7FF] =	sst s3;
	s6 =	ssub.s32 $0x2, s6;
	s7 =	sor.u32 s8, s7  }
0x9: {  	_ =	strace $0x80000047;
	s31 =	sshrl.u32 s6, $0x1;
	s8 =	sshll.u32 s7, $0x5  }
0xa: {  	v2 =	vlaneseq.u32;
	s7 =	sshrl.u32 s7, $0x3;
	s9 =	ssub.s32 s6, s31;
	s8 =	sadd.s32 s8, s5  }
0xb: {  	vm0 =	vmmov $0xffff;
	v1 =	vshrl.u32 v2, $0x3;
	s4 =	sadd.s32 s4, s7;
	s7 =	smax.u32 s9, $0x1;
	s9 =	simm.s32 $0x80  }
0xc: {  	v0 =	vand.u32 $0x7, v2;
	v2 =	vor.u32 $0x8, v2;
	v1 =	vmul.u32 $0x8, v1;
	s5 =	sadd.s32 $0xA00, s8;
	s6 =	sadd.s32 $0xC00, s8;
	s8 =	simm.s32 $0x3  }
.LBB2_1:
0xd: {  	[tilespmem:s3], [sflag:$0x3] =	stream.linear.gather [hbm4b:s4+s3], $0x20, $0x38;
	[tilespmem:$0x2080] =	vst v63  }
0xe: {  	_ =	swait.ge [sflag:s8], $0x20  }
0xf: {  	[sflag:s8] =	ssyncset.done $0x0  }
0x10: {  	[sflag:s8] =	ssyncadd.s32 $0xFFFFFFE0  }
0x11: {  	v3 =	vld [tilespmem:$0x0];
	_ =	sdelay $0x4  }
0x12: {  	v4 =	vshll.u32 v3, $0x1  }
0x13: {  	v3 =	vand.u32 $0x7, v3;
	v4 =	vand.u32 $0xFFFFFFF0, v4  }
0x14: {  	v3 =	vor.u32 v3, v4  }
0x15: {  	v4 =	vperm.xlane v3, v0;
	_ =	sdelay $0x1  }
0x16: {  	v3 =	vperm.xlane v3, v2;
	v4 =	vadd.s32 v1, v4;
	_ =	sdelay $0x1  }
0x17: {  	v3 =	vadd.s32 v1, v3;
	_ =	sdelay $0x2  }
0x18: {  	[tilespmem:s9], [sflag:$0x1] =	stream.indirect_vreg.gather [hbm4b:s1+s3], $0x80, v4, vm0, $0xb8;
	[tilespmem:$0x2080] =	vst v63  }
0x19: {  	_ = 	snop  }
0x1a: {  	[tilespmem:s10], [sflag:$0x1] =	stream.indirect_vreg.gather [hbm4b:s1+s3], $0x80, v3, vm0, $0xb8;
	[tilespmem:$0x2080] =	vst v63  }
0x1b: {  	v3 =	vld [tilespmem:$0x10];
	_ =	sdelay $0x4  }
0x1c: {  	v63 =	vshll.u32 v3, $0x1  }
0x1d: {  	v3 =	vand.u32 $0x7, v3;
	v4 =	vand.u32 $0xFFFFFFF0, v63  }
0x1e: {  	v3 =	vor.u32 v3, v4  }
0x1f: {  	v4 =	vperm.xlane v3, v0;
	_ =	sdelay $0x1  }
0x20: {  	v3 =	vperm.xlane v3, v2;
	v4 =	vadd.s32 v1, v4;
	_ =	sdelay $0x1  }
0x21: {  	v3 =	vadd.s32 v1, v3;
	_ =	sdelay $0x2  }
0x22: {  	[tilespmem:s11], [sflag:$0x1] =	stream.indirect_vreg.gather [hbm4b:s1+s3], $0x80, v4, vm0, $0xb8;
	[tilespmem:$0x2080] =	vst v63  }
0x23: {  	_ = 	snop  }
0x24: {  	[tilespmem:s12], [sflag:$0x1] =	stream.indirect_vreg.gather [hbm4b:s1+s3], $0x80, v3, vm0, $0xb8;
	[tilespmem:$0x2080] =	vst v63  }
0x25: {  	_ =	swait.ge [sflag:s13], $0x1000  }
0x26: {  	[sflag:s13] =	ssyncset.done $0x0  }
0x27: {  	[sflag:s13] =	ssyncadd.s32 $0xFFFFF000  }
0x28: {  	[hbm4b:s5+s3] =	stream.linear.scatter [tilespmem:s9], [sflag:$0x2], $0x1000, $0x38;
	[tilespmem:$0x2080] =	vst v63  }
0x29: {  	_ =	swait.ge [sflag:s13], $0x1000  }
0x2a: {  	[sflag:s13] =	ssyncset.done $0x0  }
0x2b: {  	[sflag:s13] =	ssyncadd.s32 $0xFFFFF000  }
0x2c: {  	[hbm4b:s6+s3] =	stream.linear.scatter [tilespmem:s11], [sflag:$0x2], $0x1000, $0x38;
	[tilespmem:$0x2080] =	vst v63  }
0x2d: {  	p0 =	sne.s32 s7, $0x1;
	_ =	swait.ge [sflag:s14], $0x1000  }
.Ltmp0:
0x2e: {  	[sflag:s14] =	ssyncset.done $0x0;
	(pc) =	sbr.rel @p0 .LBB2_1-.Ltmp0, $4  }
0x2f: {  	[sflag:s14] =	ssyncadd.s32 $0xFFFFF000  }
0x30: {  	_ =	swait.ge [sflag:s14], $0x1000  }
0x31: {  	[sflag:s14] =	ssyncset.done $0x0  }
0x32: {  	s7 =	sadd.s32 $0xFFFFFFFF, s7;
	[sflag:s14] =	ssyncadd.s32 $0xFFFFF000  }
0x33: {  	_ =	sfence.sel $0x180000  }
0x34: {  	[bflag:$0x0] =	sbarrier.arrive $0xFFFF  }
0x35: {  	p0 =	sne.s32 s2, $0x0;
	_ =	strace $0x90000047  }
0x36: {  	s0 =	sadd.s32 @!p0 $0x100000, s0;
	[bflag:$0x2] =	sbarrier.arrive $0xFFFF  }
0x37: {  	[sflag:s0] =	ssyncadd.tile.s32 @!p0 $0x1;
	_ =	shalt  }
.Lfunc_end2:
_tile_overlayer_lowered:
.L_overlay_start_2:
0x38: {  	(tag) =	ssettag $0x2  }
0x39: {  	s0 =	rddreg [dreg:$0x0];
	s2 =	stileid.u32  }
0x3a: {  	s1 =	rddreg [dreg:$0x1];
	p0 =	sne.s32 s2, $0x0  }
0x3b: {  	s3 =	rddreg [dreg:$0x2];
	[bflag:$0x3] =	sbarrier.arrive $0xFFFF;
	s2 =	simm.s32 @!p0 $0x1C03  }
0x3c: {  	[timem:s3], [sflag:s2] =	dma.local @!p0 [hbm:s0], s1  }
0x3d: {  	s0 =	simm.s32 @!p0 $0x3  }
0x3e: {  	_ =	swait.ge @!p0 [sflag:s0], s1  }
0x3f: {  	s1 =	ssub.s32 @!p0 $0x0, s1;
	[sflag:s0] =	ssyncset.done @!p0 $0x0  }
0x40: {  	[sflag:s0] =	ssyncadd.s32 @!p0 s1  }
0x41: {  	[bflag:$0x3] =	sbarrier.arrive $0xFFFF  }
0x42: {  	_ =	shalt  }

</sc_bundles>
